<compile_context>
chip_gen: v7x
topology: tpu7x:2x2x1
jax: 0.10.2.dev20260603
libtpu: 0.0.44.dev20260713+nightly
codegen_flags: <defaults>
</compile_context>

<pallas_src>
import jax
import jax.numpy as jnp
from jax import lax
from jax.experimental import pallas as pl
from jax.experimental.pallas import tpu as pltpu
from jax.experimental.pallas import tpu_sc as plsc

B = 16384
H = 50
D = 70
DP = 80
NVOC = 100000

NC = 2
NS = 16
NW = NC * NS
BPW = B // NW
CH = 16
NCHUNK = BPW // CH
GS = 80
NGAT = (CH * H) // GS
NLANE = DP // 16
INV_H = 1.0 / H


def _sc_pool_body(x_hbm, tab_hbm, out_hbm, idx_v, rows_v, pooled_v, sem):
    c = lax.axis_index("c")
    s = lax.axis_index("s")
    wid = s * NC + c
    base = wid * BPW

    def chunk_body(ci, carry):
        b0 = base + ci * CH
        pltpu.sync_copy(x_hbm.at[pl.ds(b0 * H, CH * H)], idx_v)
        descs = [
            pltpu.async_copy(
                tab_hbm.at[idx_v.at[pl.ds(g * GS, GS)]],
                rows_v.at[pl.ds(g * GS, GS)],
                sem,
            )
            for g in range(NGAT)
        ]
        for d_ in descs:
            d_.wait()

        def elem_body(i, carry2):
            r0 = i * H

            def red_body(r, accs):
                row = r0 + r
                return tuple(
                    accs[d] + rows_v[row, pl.ds(16 * d, 16)]
                    for d in range(NLANE)
                )

            accs = tuple(jnp.zeros((16,), jnp.float32) for _ in range(NLANE))
            accs = lax.fori_loop(0, H, red_body, accs)
            for d in range(NLANE):
                pooled_v[i, pl.ds(16 * d, 16)] = accs[d] * INV_H
            return carry2

        lax.fori_loop(0, CH, elem_body, 0)
        pltpu.sync_copy(pooled_v, out_hbm.at[pl.ds(b0, CH)])
        return carry

    lax.fori_loop(0, NCHUNK, chunk_body, 0)


_sc_pool = pl.kernel(
    _sc_pool_body,
    out_type=jax.ShapeDtypeStruct((B, DP), jnp.float32),
    mesh=plsc.VectorSubcoreMesh(
        core_axis_name="c", subcore_axis_name="s", num_cores=NC, num_subcores=NS
    ),
    scratch_types=[
        pltpu.VMEM((CH * H,), jnp.int32),
        pltpu.VMEM((CH * H, DP), jnp.float32),
        pltpu.VMEM((CH, DP), jnp.float32),
        pltpu.SemaphoreType.DMA,
    ],
    compiler_params=pltpu.CompilerParams(use_tc_tiling_on_sc=False),
)


TNR = 2000
TMC = 2048
NVR = NVOC // TNR
NBC = B // TMC


def _mmt_body(w_ref, m_ref, out_ref):
    out_ref[...] = lax.dot_general(
        w_ref[...], m_ref[...], (((1,), (1,)), ((), ())),
        preferred_element_type=jnp.float32,
    )


def _tc_matmul_t(w_aug, m):
    return pl.pallas_call(
        _mmt_body,
        grid=(NVR, NBC),
        in_specs=[
            pl.BlockSpec((TNR, DP), lambda v, b: (v, 0)),
            pl.BlockSpec((TMC, DP), lambda v, b: (b, 0)),
        ],
        out_specs=pl.BlockSpec((TNR, TMC), lambda v, b: (v, b)),
        out_shape=jax.ShapeDtypeStruct((NVOC, B), jnp.float32),
        compiler_params=pltpu.CompilerParams(
            vmem_limit_bytes=50 * 1024 * 1024
        ),
    )(w_aug, m)


def kernel(x, embed_weight, lin_weight, lin_bias):
    tab = jnp.concatenate(
        [
            embed_weight,
            jnp.ones((NVOC, 1), jnp.float32),
            jnp.zeros((NVOC, DP - D - 1), jnp.float32),
        ],
        axis=1,
    )
    xf = x.reshape(-1).astype(jnp.int32)
    pooled = _sc_pool(xf, tab)
    w_aug = jnp.concatenate(
        [
            lin_weight,
            lin_bias[:, None],
            jnp.zeros((NVOC, DP - D - 1), jnp.float32),
        ],
        axis=1,
    )
    out_t = _tc_matmul_t(w_aug, pooled)
    return out_t.T

# --- scband reference (transcript-rebuilt; emitter-appended) ---
"""Pipeline reference for scband-artist2-vec-37245956391502 (READ-ONLY COPY).

The authoritative reference and input builder live on the scoring server;
editing this copy changes nothing except your own understanding.
"""

import jax, jax.numpy as jnp
import numpy as np

NUM_EMBEDDINGS = 100000
EMBED_DIM = 70
BATCH = 16384
HIST = 50

def setup_inputs(seed: int = 0) -> dict:
    key = jax.random.key(seed)
    k1, k2, k3, k4 = jax.random.split(key, 4)
    x = jax.random.randint(k1, (BATCH, HIST), 0, NUM_EMBEDDINGS, dtype=jnp.int64) if jax.config.jax_enable_x64 else jax.random.randint(k1, (BATCH, HIST), 0, NUM_EMBEDDINGS, dtype=jnp.int32)
    embed_weight = jax.random.normal(k2, (NUM_EMBEDDINGS, EMBED_DIM), dtype=jnp.float32)
    # nn.Linear(70, num_embeddings): weight [num_embeddings, 70], bias [num_embeddings]
    bound = 1.0 / np.sqrt(EMBED_DIM)
    lin_weight = jax.random.uniform(k3, (NUM_EMBEDDINGS, EMBED_DIM), dtype=jnp.float32, minval=-bound, maxval=bound)
    lin_bias = jax.random.uniform(k4, (NUM_EMBEDDINGS,), dtype=jnp.float32, minval=-bound, maxval=bound)
    return {"x": x, "embed_weight": embed_weight, "lin_weight": lin_weight, "lin_bias": lin_bias}

def reference(x, embed_weight, lin_weight, lin_bias):
    # x = self.embed(x)
    e = jnp.take(embed_weight, x, axis=0)          # [B, L, 70]
    # x = torch.mean(x, dim=1)
    m = jnp.mean(e, axis=1)                        # [B, 70]
    # x = self.embed_out(x)
    out = m @ lin_weight.T + lin_bias              # [B, num_embeddings]
    return out

if __name__ == "__main__":
    import jax
    _d = setup_inputs()
    print(jax.jit(kernel)(*tuple(_d.values())))

</pallas_src>

<mosaic_0001>
#map = affine_map<(d0, d1) -> (0)>
#map1 = affine_map<(d0, d1) -> (0, 0)>
module attributes {stable_mosaic.version = 14 : i64} {
  func.func @_sc_pool_body(%arg0: i32, %arg1: i32, %arg2: memref<819200xi32, #tpu.memory_space<hbm>>, %arg3: memref<100000x80xf32, #tpu.memory_space<hbm>>, %arg4: memref<16384x80xf32, #tpu.memory_space<hbm>>, %arg5: memref<800xi32, #tpu.memory_space<vmem>>, %arg6: memref<800x80xf32, #tpu.memory_space<vmem>>, %arg7: memref<16x80xf32, #tpu.memory_space<vmem>>, %arg8: memref<!tpu.dma_semaphore, #tpu.memory_space<semaphore_mem>>) attributes {dimension_semantics = [#tpu.dimension_semantics<core_parallel>, #tpu.dimension_semantics<subcore_parallel>], iteration_bounds = array<i64: 2, 16>, scalar_prefetch = 0 : i64, scratch_operands = 4 : i64, tpu.core_type = #tpu.core_type<sc_vector_subcore>, window_params = [{transform_indices = #map}, {transform_indices = #map1}, {transform_indices = #map1}]} {
    %mul3A = arith.constant 2 : i32
    %mul3A_0 = arith.muli %arg1, %mul3A : i32
    %add3A = arith.addi %mul3A_0, %arg0 : i32
    %mul3A_1 = arith.constant 512 : i32
    %mul3A_2 = arith.muli %add3A, %mul3A_1 : i32
    %scan3A = arith.constant 0 : i32
    %scan3A_3 = arith.constant 0 : i32
    %scan3A_4 = arith.constant 32 : i32
    %scan3A_5 = arith.addi %scan3A_3, %scan3A_4 : i32
    %scan3A_6 = arith.constant 1 : i32
    scf.for %scan3A_8 = %scan3A_3 to %scan3A_5 step %scan3A_6  : i32 {
      %mul3A_9 = arith.constant 16 : i32
      %mul3A_10 = arith.muli %scan3A_8, %mul3A_9 : i32
      %add3A_11 = arith.addi %mul3A_2, %mul3A_10 : i32
      %mul3A_12 = arith.constant 50 : i32
      %mul3A_13 = arith.muli %add3A_11, %mul3A_12 : i32
      "tpu.region"() ({
        %run_scoped3A = tpu.sem_alloc : memref<!tpu.dma_semaphore, #tpu.memory_space<semaphore_mem>>
        %dma_start3A_178 = tpu.memref_slice %arg2[%mul3A_13] : memref<819200xi32, #tpu.memory_space<hbm>> -> memref<800xi32, #tpu.memory_space<hbm>>
        %dma_start3A_179 = tpu.memref_slice %arg2[%mul3A_13] : memref<819200xi32, #tpu.memory_space<hbm>> -> memref<800xi32, #tpu.memory_space<hbm>>
        tpu.enqueue_dma source(%dma_start3A_179 : memref<800xi32, #tpu.memory_space<hbm>>) target(%arg5 : memref<800xi32, #tpu.memory_space<vmem>>) target_semaphore(%run_scoped3A : memref<!tpu.dma_semaphore, #tpu.memory_space<semaphore_mem>>)
        %dma_wait3A_180 = tpu.memref_slice %arg2[%mul3A_13] : memref<819200xi32, #tpu.memory_space<hbm>> -> memref<800xi32, #tpu.memory_space<hbm>>
        %dma_wait3A_181 = tpu.memref_slice %arg2[%mul3A_13] : memref<819200xi32, #tpu.memory_space<hbm>> -> memref<800xi32, #tpu.memory_space<hbm>>
        tpu.wait_dma2 semaphore(%run_scoped3A : memref<!tpu.dma_semaphore, #tpu.memory_space<semaphore_mem>>) src(%dma_wait3A_181 : memref<800xi32, #tpu.memory_space<hbm>>) dst(%arg5 : memref<800xi32, #tpu.memory_space<vmem>>)
        tpu.yield
      }) : () -> ()
      %dma_start3A = arith.constant 0 : i32
      %dma_start3A_14 = arith.constant 0 : i32
      %dma_start3A_15 = tpu.memref_slice %arg6[%dma_start3A, %dma_start3A_14] : memref<800x80xf32, #tpu.memory_space<vmem>> -> memref<80x80xf32, #tpu.memory_space<vmem>>
      %dma_start3A_16 = arith.constant 0 : i32
      %dma_start3A_17 = tpu.memref_slice %arg5[%dma_start3A_16] : memref<800xi32, #tpu.memory_space<vmem>> -> memref<80xi32, #tpu.memory_space<vmem>>
      %dma_start3A_18 = arith.constant 0 : i32
      %dma_start3A_19 = arith.constant 0 : i32
      %dma_start3A_20 = tpu.memref_slice %arg3[%dma_start3A_18, %dma_start3A_19] : memref<100000x80xf32, #tpu.memory_space<hbm>> -> memref<100000x80xf32, #tpu.memory_space<hbm>>
      tpu.enqueue_indirect_dma source(%dma_start3A_20 : memref<100000x80xf32, #tpu.memory_space<hbm>>) target(%dma_start3A_15 : memref<80x80xf32, #tpu.memory_space<vmem>>) offsets(%dma_start3A_17 : memref<80xi32, #tpu.memory_space<vmem>>) semaphore(%arg8 : memref<!tpu.dma_semaphore, #tpu.memory_space<semaphore_mem>>)
      %dma_start3A_21 = arith.constant 80 : i32
      %dma_start3A_22 = arith.constant 0 : i32
      %dma_start3A_23 = tpu.memref_slice %arg6[%dma_start3A_21, %dma_start3A_22] : memref<800x80xf32, #tpu.memory_space<vmem>> -> memref<80x80xf32, #tpu.memory_space<vmem>>
      %dma_start3A_24 = arith.constant 80 : i32
      %dma_start3A_25 = tpu.memref_slice %arg5[%dma_start3A_24] : memref<800xi32, #tpu.memory_space<vmem>> -> memref<80xi32, #tpu.memory_space<vmem>>
      %dma_start3A_26 = arith.constant 0 : i32
      %dma_start3A_27 = arith.constant 0 : i32
      %dma_start3A_28 = tpu.memref_slice %arg3[%dma_start3A_26, %dma_start3A_27] : memref<100000x80xf32, #tpu.memory_space<hbm>> -> memref<100000x80xf32, #tpu.memory_space<hbm>>
      tpu.enqueue_indirect_dma source(%dma_start3A_28 : memref<100000x80xf32, #tpu.memory_space<hbm>>) target(%dma_start3A_23 : memref<80x80xf32, #tpu.memory_space<vmem>>) offsets(%dma_start3A_25 : memref<80xi32, #tpu.memory_space<vmem>>) semaphore(%arg8 : memref<!tpu.dma_semaphore, #tpu.memory_space<semaphore_mem>>)
      %dma_start3A_29 = arith.constant 160 : i32
      %dma_start3A_30 = arith.constant 0 : i32
      %dma_start3A_31 = tpu.memref_slice %arg6[%dma_start3A_29, %dma_start3A_30] : memref<800x80xf32, #tpu.memory_space<vmem>> -> memref<80x80xf32, #tpu.memory_space<vmem>>
      %dma_start3A_32 = arith.constant 160 : i32
      %dma_start3A_33 = tpu.memref_slice %arg5[%dma_start3A_32] : memref<800xi32, #tpu.memory_space<vmem>> -> memref<80xi32, #tpu.memory_space<vmem>>
      %dma_start3A_34 = arith.constant 0 : i32
      %dma_start3A_35 = arith.constant 0 : i32
      %dma_start3A_36 = tpu.memref_slice %arg3[%dma_start3A_34, %dma_start3A_35] : memref<100000x80xf32, #tpu.memory_space<hbm>> -> memref<100000x80xf32, #tpu.memory_space<hbm>>
      tpu.enqueue_indirect_dma source(%dma_start3A_36 : memref<100000x80xf32, #tpu.memory_space<hbm>>) target(%dma_start3A_31 : memref<80x80xf32, #tpu.memory_space<vmem>>) offsets(%dma_start3A_33 : memref<80xi32, #tpu.memory_space<vmem>>) semaphore(%arg8 : memref<!tpu.dma_semaphore, #tpu.memory_space<semaphore_mem>>)
      %dma_start3A_37 = arith.constant 240 : i32
      %dma_start3A_38 = arith.constant 0 : i32
      %dma_start3A_39 = tpu.memref_slice %arg6[%dma_start3A_37, %dma_start3A_38] : memref<800x80xf32, #tpu.memory_space<vmem>> -> memref<80x80xf32, #tpu.memory_space<vmem>>
      %dma_start3A_40 = arith.constant 240 : i32
      %dma_start3A_41 = tpu.memref_slice %arg5[%dma_start3A_40] : memref<800xi32, #tpu.memory_space<vmem>> -> memref<80xi32, #tpu.memory_space<vmem>>
      %dma_start3A_42 = arith.constant 0 : i32
      %dma_start3A_43 = arith.constant 0 : i32
      %dma_start3A_44 = tpu.memref_slice %arg3[%dma_start3A_42, %dma_start3A_43] : memref<100000x80xf32, #tpu.memory_space<hbm>> -> memref<100000x80xf32, #tpu.memory_space<hbm>>
      tpu.enqueue_indirect_dma source(%dma_start3A_44 : memref<100000x80xf32, #tpu.memory_space<hbm>>) target(%dma_start3A_39 : memref<80x80xf32, #tpu.memory_space<vmem>>) offsets(%dma_start3A_41 : memref<80xi32, #tpu.memory_space<vmem>>) semaphore(%arg8 : memref<!tpu.dma_semaphore, #tpu.memory_space<semaphore_mem>>)
      %dma_start3A_45 = arith.constant 320 : i32
      %dma_start3A_46 = arith.constant 0 : i32
      %dma_start3A_47 = tpu.memref_slice %arg6[%dma_start3A_45, %dma_start3A_46] : memref<800x80xf32, #tpu.memory_space<vmem>> -> memref<80x80xf32, #tpu.memory_space<vmem>>
      %dma_start3A_48 = arith.constant 320 : i32
      %dma_start3A_49 = tpu.memref_slice %arg5[%dma_start3A_48] : memref<800xi32, #tpu.memory_space<vmem>> -> memref<80xi32, #tpu.memory_space<vmem>>
      %dma_start3A_50 = arith.constant 0 : i32
      %dma_start3A_51 = arith.constant 0 : i32
      %dma_start3A_52 = tpu.memref_slice %arg3[%dma_start3A_50, %dma_start3A_51] : memref<100000x80xf32, #tpu.memory_space<hbm>> -> memref<100000x80xf32, #tpu.memory_space<hbm>>
      tpu.enqueue_indirect_dma source(%dma_start3A_52 : memref<100000x80xf32, #tpu.memory_space<hbm>>) target(%dma_start3A_47 : memref<80x80xf32, #tpu.memory_space<vmem>>) offsets(%dma_start3A_49 : memref<80xi32, #tpu.memory_space<vmem>>) semaphore(%arg8 : memref<!tpu.dma_semaphore, #tpu.memory_space<semaphore_mem>>)
      %dma_start3A_53 = arith.constant 400 : i32
      %dma_start3A_54 = arith.constant 0 : i32
      %dma_start3A_55 = tpu.memref_slice %arg6[%dma_start3A_53, %dma_start3A_54] : memref<800x80xf32, #tpu.memory_space<vmem>> -> memref<80x80xf32, #tpu.memory_space<vmem>>
      %dma_start3A_56 = arith.constant 400 : i32
      %dma_start3A_57 = tpu.memref_slice %arg5[%dma_start3A_56] : memref<800xi32, #tpu.memory_space<vmem>> -> memref<80xi32, #tpu.memory_space<vmem>>
      %dma_start3A_58 = arith.constant 0 : i32
      %dma_start3A_59 = arith.constant 0 : i32
      %dma_start3A_60 = tpu.memref_slice %arg3[%dma_start3A_58, %dma_start3A_59] : memref<100000x80xf32, #tpu.memory_space<hbm>> -> memref<100000x80xf32, #tpu.memory_space<hbm>>
      tpu.enqueue_indirect_dma source(%dma_start3A_60 : memref<100000x80xf32, #tpu.memory_space<hbm>>) target(%dma_start3A_55 : memref<80x80xf32, #tpu.memory_space<vmem>>) offsets(%dma_start3A_57 : memref<80xi32, #tpu.memory_space<vmem>>) semaphore(%arg8 : memref<!tpu.dma_semaphore, #tpu.memory_space<semaphore_mem>>)
      %dma_start3A_61 = arith.constant 480 : i32
      %dma_start3A_62 = arith.constant 0 : i32
      %dma_start3A_63 = tpu.memref_slice %arg6[%dma_start3A_61, %dma_start3A_62] : memref<800x80xf32, #tpu.memory_space<vmem>> -> memref<80x80xf32, #tpu.memory_space<vmem>>
      %dma_start3A_64 = arith.constant 480 : i32
      %dma_start3A_65 = tpu.memref_slice %arg5[%dma_start3A_64] : memref<800xi32, #tpu.memory_space<vmem>> -> memref<80xi32, #tpu.memory_space<vmem>>
      %dma_start3A_66 = arith.constant 0 : i32
      %dma_start3A_67 = arith.constant 0 : i32
      %dma_start3A_68 = tpu.memref_slice %arg3[%dma_start3A_66, %dma_start3A_67] : memref<100000x80xf32, #tpu.memory_space<hbm>> -> memref<100000x80xf32, #tpu.memory_space<hbm>>
      tpu.enqueue_indirect_dma source(%dma_start3A_68 : memref<100000x80xf32, #tpu.memory_space<hbm>>) target(%dma_start3A_63 : memref<80x80xf32, #tpu.memory_space<vmem>>) offsets(%dma_start3A_65 : memref<80xi32, #tpu.memory_space<vmem>>) semaphore(%arg8 : memref<!tpu.dma_semaphore, #tpu.memory_space<semaphore_mem>>)
      %dma_start3A_69 = arith.constant 560 : i32
      %dma_start3A_70 = arith.constant 0 : i32
      %dma_start3A_71 = tpu.memref_slice %arg6[%dma_start3A_69, %dma_start3A_70] : memref<800x80xf32, #tpu.memory_space<vmem>> -> memref<80x80xf32, #tpu.memory_space<vmem>>
      %dma_start3A_72 = arith.constant 560 : i32
      %dma_start3A_73 = tpu.memref_slice %arg5[%dma_start3A_72] : memref<800xi32, #tpu.memory_space<vmem>> -> memref<80xi32, #tpu.memory_space<vmem>>
      %dma_start3A_74 = arith.constant 0 : i32
      %dma_start3A_75 = arith.constant 0 : i32
      %dma_start3A_76 = tpu.memref_slice %arg3[%dma_start3A_74, %dma_start3A_75] : memref<100000x80xf32, #tpu.memory_space<hbm>> -> memref<100000x80xf32, #tpu.memory_space<hbm>>
      tpu.enqueue_indirect_dma source(%dma_start3A_76 : memref<100000x80xf32, #tpu.memory_space<hbm>>) target(%dma_start3A_71 : memref<80x80xf32, #tpu.memory_space<vmem>>) offsets(%dma_start3A_73 : memref<80xi32, #tpu.memory_space<vmem>>) semaphore(%arg8 : memref<!tpu.dma_semaphore, #tpu.memory_space<semaphore_mem>>)
      %dma_start3A_77 = arith.constant 640 : i32
      %dma_start3A_78 = arith.constant 0 : i32
      %dma_start3A_79 = tpu.memref_slice %arg6[%dma_start3A_77, %dma_start3A_78] : memref<800x80xf32, #tpu.memory_space<vmem>> -> memref<80x80xf32, #tpu.memory_space<vmem>>
      %dma_start3A_80 = arith.constant 640 : i32
      %dma_start3A_81 = tpu.memref_slice %arg5[%dma_start3A_80] : memref<800xi32, #tpu.memory_space<vmem>> -> memref<80xi32, #tpu.memory_space<vmem>>
      %dma_start3A_82 = arith.constant 0 : i32
      %dma_start3A_83 = arith.constant 0 : i32
      %dma_start3A_84 = tpu.memref_slice %arg3[%dma_start3A_82, %dma_start3A_83] : memref<100000x80xf32, #tpu.memory_space<hbm>> -> memref<100000x80xf32, #tpu.memory_space<hbm>>
      tpu.enqueue_indirect_dma source(%dma_start3A_84 : memref<100000x80xf32, #tpu.memory_space<hbm>>) target(%dma_start3A_79 : memref<80x80xf32, #tpu.memory_space<vmem>>) offsets(%dma_start3A_81 : memref<80xi32, #tpu.memory_space<vmem>>) semaphore(%arg8 : memref<!tpu.dma_semaphore, #tpu.memory_space<semaphore_mem>>)
      %dma_start3A_85 = arith.constant 720 : i32
      %dma_start3A_86 = arith.constant 0 : i32
      %dma_start3A_87 = tpu.memref_slice %arg6[%dma_start3A_85, %dma_start3A_86] : memref<800x80xf32, #tpu.memory_space<vmem>> -> memref<80x80xf32, #tpu.memory_space<vmem>>
      %dma_start3A_88 = arith.constant 720 : i32
      %dma_start3A_89 = tpu.memref_slice %arg5[%dma_start3A_88] : memref<800xi32, #tpu.memory_space<vmem>> -> memref<80xi32, #tpu.memory_space<vmem>>
      %dma_start3A_90 = arith.constant 0 : i32
      %dma_start3A_91 = arith.constant 0 : i32
      %dma_start3A_92 = tpu.memref_slice %arg3[%dma_start3A_90, %dma_start3A_91] : memref<100000x80xf32, #tpu.memory_space<hbm>> -> memref<100000x80xf32, #tpu.memory_space<hbm>>
      tpu.enqueue_indirect_dma source(%dma_start3A_92 : memref<100000x80xf32, #tpu.memory_space<hbm>>) target(%dma_start3A_87 : memref<80x80xf32, #tpu.memory_space<vmem>>) offsets(%dma_start3A_89 : memref<80xi32, #tpu.memory_space<vmem>>) semaphore(%arg8 : memref<!tpu.dma_semaphore, #tpu.memory_space<semaphore_mem>>)
      %dma_wait3A = arith.constant 0 : i32
      %dma_wait3A_93 = arith.constant 0 : i32
      %dma_wait3A_94 = tpu.memref_slice %arg6[%dma_wait3A, %dma_wait3A_93] : memref<800x80xf32, #tpu.memory_space<vmem>> -> memref<80x80xf32, #tpu.memory_space<vmem>>
      %dma_wait3A_95 = arith.constant 0 : i32
      %dma_wait3A_96 = tpu.memref_slice %arg5[%dma_wait3A_95] : memref<800xi32, #tpu.memory_space<vmem>> -> memref<80xi32, #tpu.memory_space<vmem>>
      %dma_wait3A_97 = arith.constant 0 : i32
      %dma_wait3A_98 = arith.constant 0 : i32
      %dma_wait3A_99 = tpu.memref_slice %arg3[%dma_wait3A_97, %dma_wait3A_98] : memref<100000x80xf32, #tpu.memory_space<hbm>> -> memref<100000x80xf32, #tpu.memory_space<hbm>>
      tpu.wait_indirect_dma semaphore(%arg8 : memref<!tpu.dma_semaphore, #tpu.memory_space<semaphore_mem>>) src(%dma_wait3A_99 : memref<100000x80xf32, #tpu.memory_space<hbm>>) dst(%dma_wait3A_94 : memref<80x80xf32, #tpu.memory_space<vmem>>)
      %dma_wait3A_100 = arith.constant 80 : i32
      %dma_wait3A_101 = arith.constant 0 : i32
      %dma_wait3A_102 = tpu.memref_slice %arg6[%dma_wait3A_100, %dma_wait3A_101] : memref<800x80xf32, #tpu.memory_space<vmem>> -> memref<80x80xf32, #tpu.memory_space<vmem>>
      %dma_wait3A_103 = arith.constant 80 : i32
      %dma_wait3A_104 = tpu.memref_slice %arg5[%dma_wait3A_103] : memref<800xi32, #tpu.memory_space<vmem>> -> memref<80xi32, #tpu.memory_space<vmem>>
      %dma_wait3A_105 = arith.constant 0 : i32
      %dma_wait3A_106 = arith.constant 0 : i32
      %dma_wait3A_107 = tpu.memref_slice %arg3[%dma_wait3A_105, %dma_wait3A_106] : memref<100000x80xf32, #tpu.memory_space<hbm>> -> memref<100000x80xf32, #tpu.memory_space<hbm>>
      tpu.wait_indirect_dma semaphore(%arg8 : memref<!tpu.dma_semaphore, #tpu.memory_space<semaphore_mem>>) src(%dma_wait3A_107 : memref<100000x80xf32, #tpu.memory_space<hbm>>) dst(%dma_wait3A_102 : memref<80x80xf32, #tpu.memory_space<vmem>>)
      %dma_wait3A_108 = arith.constant 160 : i32
      %dma_wait3A_109 = arith.constant 0 : i32
      %dma_wait3A_110 = tpu.memref_slice %arg6[%dma_wait3A_108, %dma_wait3A_109] : memref<800x80xf32, #tpu.memory_space<vmem>> -> memref<80x80xf32, #tpu.memory_space<vmem>>
      %dma_wait3A_111 = arith.constant 160 : i32
      %dma_wait3A_112 = tpu.memref_slice %arg5[%dma_wait3A_111] : memref<800xi32, #tpu.memory_space<vmem>> -> memref<80xi32, #tpu.memory_space<vmem>>
      %dma_wait3A_113 = arith.constant 0 : i32
      %dma_wait3A_114 = arith.constant 0 : i32
      %dma_wait3A_115 = tpu.memref_slice %arg3[%dma_wait3A_113, %dma_wait3A_114] : memref<100000x80xf32, #tpu.memory_space<hbm>> -> memref<100000x80xf32, #tpu.memory_space<hbm>>
      tpu.wait_indirect_dma semaphore(%arg8 : memref<!tpu.dma_semaphore, #tpu.memory_space<semaphore_mem>>) src(%dma_wait3A_115 : memref<100000x80xf32, #tpu.memory_space<hbm>>) dst(%dma_wait3A_110 : memref<80x80xf32, #tpu.memory_space<vmem>>)
      %dma_wait3A_116 = arith.constant 240 : i32
      %dma_wait3A_117 = arith.constant 0 : i32
      %dma_wait3A_118 = tpu.memref_slice %arg6[%dma_wait3A_116, %dma_wait3A_117] : memref<800x80xf32, #tpu.memory_space<vmem>> -> memref<80x80xf32, #tpu.memory_space<vmem>>
      %dma_wait3A_119 = arith.constant 240 : i32
      %dma_wait3A_120 = tpu.memref_slice %arg5[%dma_wait3A_119] : memref<800xi32, #tpu.memory_space<vmem>> -> memref<80xi32, #tpu.memory_space<vmem>>
      %dma_wait3A_121 = arith.constant 0 : i32
      %dma_wait3A_122 = arith.constant 0 : i32
      %dma_wait3A_123 = tpu.memref_slice %arg3[%dma_wait3A_121, %dma_wait3A_122] : memref<100000x80xf32, #tpu.memory_space<hbm>> -> memref<100000x80xf32, #tpu.memory_space<hbm>>
      tpu.wait_indirect_dma semaphore(%arg8 : memref<!tpu.dma_semaphore, #tpu.memory_space<semaphore_mem>>) src(%dma_wait3A_123 : memref<100000x80xf32, #tpu.memory_space<hbm>>) dst(%dma_wait3A_118 : memref<80x80xf32, #tpu.memory_space<vmem>>)
      %dma_wait3A_124 = arith.constant 320 : i32
      %dma_wait3A_125 = arith.constant 0 : i32
      %dma_wait3A_126 = tpu.memref_slice %arg6[%dma_wait3A_124, %dma_wait3A_125] : memref<800x80xf32, #tpu.memory_space<vmem>> -> memref<80x80xf32, #tpu.memory_space<vmem>>
      %dma_wait3A_127 = arith.constant 320 : i32
      %dma_wait3A_128 = tpu.memref_slice %arg5[%dma_wait3A_127] : memref<800xi32, #tpu.memory_space<vmem>> -> memref<80xi32, #tpu.memory_space<vmem>>
      %dma_wait3A_129 = arith.constant 0 : i32
      %dma_wait3A_130 = arith.constant 0 : i32
      %dma_wait3A_131 = tpu.memref_slice %arg3[%dma_wait3A_129, %dma_wait3A_130] : memref<100000x80xf32, #tpu.memory_space<hbm>> -> memref<100000x80xf32, #tpu.memory_space<hbm>>
      tpu.wait_indirect_dma semaphore(%arg8 : memref<!tpu.dma_semaphore, #tpu.memory_space<semaphore_mem>>) src(%dma_wait3A_131 : memref<100000x80xf32, #tpu.memory_space<hbm>>) dst(%dma_wait3A_126 : memref<80x80xf32, #tpu.memory_space<vmem>>)
      %dma_wait3A_132 = arith.constant 400 : i32
      %dma_wait3A_133 = arith.constant 0 : i32
      %dma_wait3A_134 = tpu.memref_slice %arg6[%dma_wait3A_132, %dma_wait3A_133] : memref<800x80xf32, #tpu.memory_space<vmem>> -> memref<80x80xf32, #tpu.memory_space<vmem>>
      %dma_wait3A_135 = arith.constant 400 : i32
      %dma_wait3A_136 = tpu.memref_slice %arg5[%dma_wait3A_135] : memref<800xi32, #tpu.memory_space<vmem>> -> memref<80xi32, #tpu.memory_space<vmem>>
      %dma_wait3A_137 = arith.constant 0 : i32
      %dma_wait3A_138 = arith.constant 0 : i32
      %dma_wait3A_139 = tpu.memref_slice %arg3[%dma_wait3A_137, %dma_wait3A_138] : memref<100000x80xf32, #tpu.memory_space<hbm>> -> memref<100000x80xf32, #tpu.memory_space<hbm>>
      tpu.wait_indirect_dma semaphore(%arg8 : memref<!tpu.dma_semaphore, #tpu.memory_space<semaphore_mem>>) src(%dma_wait3A_139 : memref<100000x80xf32, #tpu.memory_space<hbm>>) dst(%dma_wait3A_134 : memref<80x80xf32, #tpu.memory_space<vmem>>)
      %dma_wait3A_140 = arith.constant 480 : i32
      %dma_wait3A_141 = arith.constant 0 : i32
      %dma_wait3A_142 = tpu.memref_slice %arg6[%dma_wait3A_140, %dma_wait3A_141] : memref<800x80xf32, #tpu.memory_space<vmem>> -> memref<80x80xf32, #tpu.memory_space<vmem>>
      %dma_wait3A_143 = arith.constant 480 : i32
      %dma_wait3A_144 = tpu.memref_slice %arg5[%dma_wait3A_143] : memref<800xi32, #tpu.memory_space<vmem>> -> memref<80xi32, #tpu.memory_space<vmem>>
      %dma_wait3A_145 = arith.constant 0 : i32
      %dma_wait3A_146 = arith.constant 0 : i32
      %dma_wait3A_147 = tpu.memref_slice %arg3[%dma_wait3A_145, %dma_wait3A_146] : memref<100000x80xf32, #tpu.memory_space<hbm>> -> memref<100000x80xf32, #tpu.memory_space<hbm>>
      tpu.wait_indirect_dma semaphore(%arg8 : memref<!tpu.dma_semaphore, #tpu.memory_space<semaphore_mem>>) src(%dma_wait3A_147 : memref<100000x80xf32, #tpu.memory_space<hbm>>) dst(%dma_wait3A_142 : memref<80x80xf32, #tpu.memory_space<vmem>>)
      %dma_wait3A_148 = arith.constant 560 : i32
      %dma_wait3A_149 = arith.constant 0 : i32
      %dma_wait3A_150 = tpu.memref_slice %arg6[%dma_wait3A_148, %dma_wait3A_149] : memref<800x80xf32, #tpu.memory_space<vmem>> -> memref<80x80xf32, #tpu.memory_space<vmem>>
      %dma_wait3A_151 = arith.constant 560 : i32
      %dma_wait3A_152 = tpu.memref_slice %arg5[%dma_wait3A_151] : memref<800xi32, #tpu.memory_space<vmem>> -> memref<80xi32, #tpu.memory_space<vmem>>
      %dma_wait3A_153 = arith.constant 0 : i32
      %dma_wait3A_154 = arith.constant 0 : i32
      %dma_wait3A_155 = tpu.memref_slice %arg3[%dma_wait3A_153, %dma_wait3A_154] : memref<100000x80xf32, #tpu.memory_space<hbm>> -> memref<100000x80xf32, #tpu.memory_space<hbm>>
      tpu.wait_indirect_dma semaphore(%arg8 : memref<!tpu.dma_semaphore, #tpu.memory_space<semaphore_mem>>) src(%dma_wait3A_155 : memref<100000x80xf32, #tpu.memory_space<hbm>>) dst(%dma_wait3A_150 : memref<80x80xf32, #tpu.memory_space<vmem>>)
      %dma_wait3A_156 = arith.constant 640 : i32
      %dma_wait3A_157 = arith.constant 0 : i32
      %dma_wait3A_158 = tpu.memref_slice %arg6[%dma_wait3A_156, %dma_wait3A_157] : memref<800x80xf32, #tpu.memory_space<vmem>> -> memref<80x80xf32, #tpu.memory_space<vmem>>
      %dma_wait3A_159 = arith.constant 640 : i32
      %dma_wait3A_160 = tpu.memref_slice %arg5[%dma_wait3A_159] : memref<800xi32, #tpu.memory_space<vmem>> -> memref<80xi32, #tpu.memory_space<vmem>>
      %dma_wait3A_161 = arith.constant 0 : i32
      %dma_wait3A_162 = arith.constant 0 : i32
      %dma_wait3A_163 = tpu.memref_slice %arg3[%dma_wait3A_161, %dma_wait3A_162] : memref<100000x80xf32, #tpu.memory_space<hbm>> -> memref<100000x80xf32, #tpu.memory_space<hbm>>
      tpu.wait_indirect_dma semaphore(%arg8 : memref<!tpu.dma_semaphore, #tpu.memory_space<semaphore_mem>>) src(%dma_wait3A_163 : memref<100000x80xf32, #tpu.memory_space<hbm>>) dst(%dma_wait3A_158 : memref<80x80xf32, #tpu.memory_space<vmem>>)
      %dma_wait3A_164 = arith.constant 720 : i32
      %dma_wait3A_165 = arith.constant 0 : i32
      %dma_wait3A_166 = tpu.memref_slice %arg6[%dma_wait3A_164, %dma_wait3A_165] : memref<800x80xf32, #tpu.memory_space<vmem>> -> memref<80x80xf32, #tpu.memory_space<vmem>>
      %dma_wait3A_167 = arith.constant 720 : i32
      %dma_wait3A_168 = tpu.memref_slice %arg5[%dma_wait3A_167] : memref<800xi32, #tpu.memory_space<vmem>> -> memref<80xi32, #tpu.memory_space<vmem>>
      %dma_wait3A_169 = arith.constant 0 : i32
      %dma_wait3A_170 = arith.constant 0 : i32
      %dma_wait3A_171 = tpu.memref_slice %arg3[%dma_wait3A_169, %dma_wait3A_170] : memref<100000x80xf32, #tpu.memory_space<hbm>> -> memref<100000x80xf32, #tpu.memory_space<hbm>>
      tpu.wait_indirect_dma semaphore(%arg8 : memref<!tpu.dma_semaphore, #tpu.memory_space<semaphore_mem>>) src(%dma_wait3A_171 : memref<100000x80xf32, #tpu.memory_space<hbm>>) dst(%dma_wait3A_166 : memref<80x80xf32, #tpu.memory_space<vmem>>)
      %scan3A_172 = arith.constant 0 : i32
      %scan3A_173 = arith.constant 0 : i32
      %scan3A_174 = arith.constant 16 : i32
      %scan3A_175 = arith.addi %scan3A_173, %scan3A_174 : i32
      %scan3A_176 = arith.constant 1 : i32
      scf.for %scan3A_178 = %scan3A_173 to %scan3A_175 step %scan3A_176  : i32 {
        %mul3A_179 = arith.constant 50 : i32
        %mul3A_180 = arith.muli %scan3A_178, %mul3A_179 : i32
        %broadcast_in_dim3A = arith.constant 0.000000e+00 : f32
        %broadcast_in_dim3A_181 = vector.broadcast %broadcast_in_dim3A : f32 to vector<16xf32>
        %broadcast_in_dim3A_182 = arith.constant 0.000000e+00 : f32
        %broadcast_in_dim3A_183 = vector.broadcast %broadcast_in_dim3A_182 : f32 to vector<16xf32>
        %broadcast_in_dim3A_184 = arith.constant 0.000000e+00 : f32
        %broadcast_in_dim3A_185 = vector.broadcast %broadcast_in_dim3A_184 : f32 to vector<16xf32>
        %broadcast_in_dim3A_186 = arith.constant 0.000000e+00 : f32
        %broadcast_in_dim3A_187 = vector.broadcast %broadcast_in_dim3A_186 : f32 to vector<16xf32>
        %broadcast_in_dim3A_188 = arith.constant 0.000000e+00 : f32
        %broadcast_in_dim3A_189 = vector.broadcast %broadcast_in_dim3A_188 : f32 to vector<16xf32>
        %scan3A_190 = arith.constant 0 : i32
        %scan3A_191 = arith.constant 50 : i32
        %scan3A_192 = arith.addi %scan3A_190, %scan3A_191 : i32
        %scan3A_193 = arith.constant 1 : i32
        %scan3A_194:5 = scf.for %scan3A_235 = %scan3A_190 to %scan3A_192 step %scan3A_193 iter_args(%scan3A_236 = %broadcast_in_dim3A_181, %scan3A_237 = %broadcast_in_dim3A_183, %scan3A_238 = %broadcast_in_dim3A_185, %scan3A_239 = %broadcast_in_dim3A_187, %scan3A_240 = %broadcast_in_dim3A_189) -> (vector<16xf32>, vector<16xf32>, vector<16xf32>, vector<16xf32>, vector<16xf32>)  : i32 {
          %add3A_241 = arith.addi %mul3A_180, %scan3A_235 : i32
          %get3A = arith.index_cast %add3A_241 : i32 to index
          %get3A_242 = arith.constant 0 : index
          %get3A_243 = tpu.vector_load %arg6[%get3A, %get3A_242] {strides = array<i32>} : memref<800x80xf32, #tpu.memory_space<vmem>>, vector<1x16xf32>,
          %get3A_244 = vector.shape_cast %get3A_243 : vector<1x16xf32> to vector<16xf32>
          %add3A_245 = arith.addf %scan3A_236, %get3A_244 : vector<16xf32>
          %get3A_246 = arith.index_cast %add3A_241 : i32 to index
          %get3A_247 = arith.constant 16 : index
          %get3A_248 = tpu.vector_load %arg6[%get3A_246, %get3A_247] {strides = array<i32>} : memref<800x80xf32, #tpu.memory_space<vmem>>, vector<1x16xf32>,
          %get3A_249 = vector.shape_cast %get3A_248 : vector<1x16xf32> to vector<16xf32>
          %add3A_250 = arith.addf %scan3A_237, %get3A_249 : vector<16xf32>
          %get3A_251 = arith.index_cast %add3A_241 : i32 to index
          %get3A_252 = arith.constant 32 : index
          %get3A_253 = tpu.vector_load %arg6[%get3A_251, %get3A_252] {strides = array<i32>} : memref<800x80xf32, #tpu.memory_space<vmem>>, vector<1x16xf32>,
          %get3A_254 = vector.shape_cast %get3A_253 : vector<1x16xf32> to vector<16xf32>
          %add3A_255 = arith.addf %scan3A_238, %get3A_254 : vector<16xf32>
          %get3A_256 = arith.index_cast %add3A_241 : i32 to index
          %get3A_257 = arith.constant 48 : index
          %get3A_258 = tpu.vector_load %arg6[%get3A_256, %get3A_257] {strides = array<i32>} : memref<800x80xf32, #tpu.memory_space<vmem>>, vector<1x16xf32>,
          %get3A_259 = vector.shape_cast %get3A_258 : vector<1x16xf32> to vector<16xf32>
          %add3A_260 = arith.addf %scan3A_239, %get3A_259 : vector<16xf32>
          %get3A_261 = arith.index_cast %add3A_241 : i32 to index
          %get3A_262 = arith.constant 64 : index
          %get3A_263 = tpu.vector_load %arg6[%get3A_261, %get3A_262] {strides = array<i32>} : memref<800x80xf32, #tpu.memory_space<vmem>>, vector<1x16xf32>,
          %get3A_264 = vector.shape_cast %get3A_263 : vector<1x16xf32> to vector<16xf32>
          %add3A_265 = arith.addf %scan3A_240, %get3A_264 : vector<16xf32>
          scf.yield %add3A_245, %add3A_250, %add3A_255, %add3A_260, %add3A_265 : vector<16xf32>, vector<16xf32>, vector<16xf32>, vector<16xf32>, vector<16xf32>
        }
        %scan3A_195 = arith.constant 50 : i32
        %mul3A_196 = arith.constant 2.000000e-02 : f32
        %mul3A_197 = vector.broadcast %mul3A_196 : f32 to vector<16xf32>
        %mul3A_198 = arith.mulf %scan3A_194#0, %mul3A_197 : vector<16xf32>
        %swap3A = arith.index_cast %scan3A_178 : i32 to index
        %swap3A_199 = arith.constant 0 : index
        %swap3A_200 = tpu.vector_load %arg7[%swap3A, %swap3A_199] {strides = array<i32>} : memref<16x80xf32, #tpu.memory_space<vmem>>, vector<1x16xf32>,
        %swap3A_201 = vector.shape_cast %swap3A_200 : vector<1x16xf32> to vector<16xf32>
        %swap3A_202 = vector.shape_cast %mul3A_198 : vector<16xf32> to vector<1x16xf32>
        tpu.vector_store %arg7[%swap3A, %swap3A_199], %swap3A_202 {strides = array<i32>} : memref<16x80xf32, #tpu.memory_space<vmem>>, vector<1x16xf32>,
        %mul3A_203 = arith.constant 2.000000e-02 : f32
        %mul3A_204 = vector.broadcast %mul3A_203 : f32 to vector<16xf32>
        %mul3A_205 = arith.mulf %scan3A_194#1, %mul3A_204 : vector<16xf32>
        %swap3A_206 = arith.index_cast %scan3A_178 : i32 to index
        %swap3A_207 = arith.constant 16 : index
        %swap3A_208 = tpu.vector_load %arg7[%swap3A_206, %swap3A_207] {strides = array<i32>} : memref<16x80xf32, #tpu.memory_space<vmem>>, vector<1x16xf32>,
        %swap3A_209 = vector.shape_cast %swap3A_208 : vector<1x16xf32> to vector<16xf32>
        %swap3A_210 = vector.shape_cast %mul3A_205 : vector<16xf32> to vector<1x16xf32>
        tpu.vector_store %arg7[%swap3A_206, %swap3A_207], %swap3A_210 {strides = array<i32>} : memref<16x80xf32, #tpu.memory_space<vmem>>, vector<1x16xf32>,
        %mul3A_211 = arith.constant 2.000000e-02 : f32
        %mul3A_212 = vector.broadcast %mul3A_211 : f32 to vector<16xf32>
        %mul3A_213 = arith.mulf %scan3A_194#2, %mul3A_212 : vector<16xf32>
        %swap3A_214 = arith.index_cast %scan3A_178 : i32 to index
        %swap3A_215 = arith.constant 32 : index
        %swap3A_216 = tpu.vector_load %arg7[%swap3A_214, %swap3A_215] {strides = array<i32>} : memref<16x80xf32, #tpu.memory_space<vmem>>, vector<1x16xf32>,
        %swap3A_217 = vector.shape_cast %swap3A_216 : vector<1x16xf32> to vector<16xf32>
        %swap3A_218 = vector.shape_cast %mul3A_213 : vector<16xf32> to vector<1x16xf32>
        tpu.vector_store %arg7[%swap3A_214, %swap3A_215], %swap3A_218 {strides = array<i32>} : memref<16x80xf32, #tpu.memory_space<vmem>>, vector<1x16xf32>,
        %mul3A_219 = arith.constant 2.000000e-02 : f32
        %mul3A_220 = vector.broadcast %mul3A_219 : f32 to vector<16xf32>
        %mul3A_221 = arith.mulf %scan3A_194#3, %mul3A_220 : vector<16xf32>
        %swap3A_222 = arith.index_cast %scan3A_178 : i32 to index
        %swap3A_223 = arith.constant 48 : index
        %swap3A_224 = tpu.vector_load %arg7[%swap3A_222, %swap3A_223] {strides = array<i32>} : memref<16x80xf32, #tpu.memory_space<vmem>>, vector<1x16xf32>,
        %swap3A_225 = vector.shape_cast %swap3A_224 : vector<1x16xf32> to vector<16xf32>
        %swap3A_226 = vector.shape_cast %mul3A_221 : vector<16xf32> to vector<1x16xf32>
        tpu.vector_store %arg7[%swap3A_222, %swap3A_223], %swap3A_226 {strides = array<i32>} : memref<16x80xf32, #tpu.memory_space<vmem>>, vector<1x16xf32>,
        %mul3A_227 = arith.constant 2.000000e-02 : f32
        %mul3A_228 = vector.broadcast %mul3A_227 : f32 to vector<16xf32>
        %mul3A_229 = arith.mulf %scan3A_194#4, %mul3A_228 : vector<16xf32>
        %swap3A_230 = arith.index_cast %scan3A_178 : i32 to index
        %swap3A_231 = arith.constant 64 : index
        %swap3A_232 = tpu.vector_load %arg7[%swap3A_230, %swap3A_231] {strides = array<i32>} : memref<16x80xf32, #tpu.memory_space<vmem>>, vector<1x16xf32>,
        %swap3A_233 = vector.shape_cast %swap3A_232 : vector<1x16xf32> to vector<16xf32>
        %swap3A_234 = vector.shape_cast %mul3A_229 : vector<16xf32> to vector<1x16xf32>
        tpu.vector_store %arg7[%swap3A_230, %swap3A_231], %swap3A_234 {strides = array<i32>} : memref<16x80xf32, #tpu.memory_space<vmem>>, vector<1x16xf32>,
      }
      %scan3A_177 = arith.constant 16 : i32
      "tpu.region"() ({
        %run_scoped3A = tpu.sem_alloc : memref<!tpu.dma_semaphore, #tpu.memory_space<semaphore_mem>>
        %dma_start3A_178 = arith.constant 0 : i32
        %dma_start3A_179 = tpu.memref_slice %arg4[%add3A_11, %dma_start3A_178] : memref<16384x80xf32, #tpu.memory_space<hbm>> -> memref<16x80xf32, #tpu.memory_space<hbm>>
        %dma_start3A_180 = arith.constant 0 : i32
        %dma_start3A_181 = tpu.memref_slice %arg4[%add3A_11, %dma_start3A_180] : memref<16384x80xf32, #tpu.memory_space<hbm>> -> memref<16x80xf32, #tpu.memory_space<hbm>>
        tpu.enqueue_dma source(%arg7 : memref<16x80xf32, #tpu.memory_space<vmem>>) target(%dma_start3A_181 : memref<16x80xf32, #tpu.memory_space<hbm>>) target_semaphore(%run_scoped3A : memref<!tpu.dma_semaphore, #tpu.memory_space<semaphore_mem>>)
        %dma_wait3A_182 = arith.constant 0 : i32
        %dma_wait3A_183 = tpu.memref_slice %arg4[%add3A_11, %dma_wait3A_182] : memref<16384x80xf32, #tpu.memory_space<hbm>> -> memref<16x80xf32, #tpu.memory_space<hbm>>
        %dma_wait3A_184 = arith.constant 0 : i32
        %dma_wait3A_185 = tpu.memref_slice %arg4[%add3A_11, %dma_wait3A_184] : memref<16384x80xf32, #tpu.memory_space<hbm>> -> memref<16x80xf32, #tpu.memory_space<hbm>>
        tpu.wait_dma2 semaphore(%run_scoped3A : memref<!tpu.dma_semaphore, #tpu.memory_space<semaphore_mem>>) src(%arg7 : memref<16x80xf32, #tpu.memory_space<vmem>>) dst(%dma_wait3A_185 : memref<16x80xf32, #tpu.memory_space<hbm>>)
        tpu.yield
      }) : () -> ()
    }
    %scan3A_7 = arith.constant 32 : i32
    return
  }
}

module attributes {stable_mosaic.version = 14 : i64} {
  func.func @_mmt_body(%arg0: i32, %arg1: i32, %arg2: memref<2000x80xf32, #tpu.memory_space<vmem>>, %arg3: memref<2048x80xf32, #tpu.memory_space<vmem>>, %arg4: memref<2000x2048xf32, #tpu.memory_space<vmem>>) attributes {dimension_semantics = [#tpu.dimension_semantics<arbitrary>, #tpu.dimension_semantics<arbitrary>], iteration_bounds = array<i64: 50, 8>, scalar_prefetch = 0 : i64, scratch_operands = 0 : i64, tpu.core_type = #tpu.core_type<tc>, window_params = [{transform_indices = @transform_0, window_bounds = array<i64: 2000, 80>}, {transform_indices = @transform_1, window_bounds = array<i64: 2048, 80>}, {transform_indices = @transform_2, window_bounds = array<i64: 2000, 2048>}]} {
    %get3A = arith.constant 0 : index
    %get3A_0 = arith.constant 0 : index
    %get3A_1 = vector.load %arg2[%get3A, %get3A_0] : memref<2000x80xf32, #tpu.memory_space<vmem>>, vector<2000x80xf32>
    %get3A_2 = arith.constant 0 : index
    %get3A_3 = arith.constant 0 : index
    %get3A_4 = vector.load %arg3[%get3A_2, %get3A_3] : memref<2048x80xf32, #tpu.memory_space<vmem>>, vector<2048x80xf32>
    %dot_general3A = arith.constant dense<0.000000e+00> : vector<2000x2048xf32>
    %dot_general3A_5 = tpu.matmul %get3A_1, %get3A_4, %dot_general3A {dimension_numbers = #tpu.dot_dimension_numbers<[1], [1], [0], [0], [0, 0, 1, 0], [], []>, transpose_lhs_hint = false} : vector<2000x80xf32>, vector<2048x80xf32>, vector<2000x2048xf32> -> vector<2000x2048xf32>
    %swap3A = arith.constant 0 : index
    %swap3A_6 = arith.constant 0 : index
    %swap3A_7 = vector.load %arg4[%swap3A, %swap3A_6] : memref<2000x2048xf32, #tpu.memory_space<vmem>>, vector<2000x2048xf32>
    tpu.vector_store %arg4[%swap3A, %swap3A_6], %dot_general3A_5 {strides = array<i32>} : memref<2000x2048xf32, #tpu.memory_space<vmem>>, vector<2000x2048xf32>,
    return
  }
  func.func @transform_0(%arg0: i32, %arg1: i32) -> (i32, i32) {
    %c0_i32 = arith.constant 0 : i32
    %c0_i32_0 = arith.constant 0 : i32
    return %arg0, %c0_i32 : i32, i32
  }
  func.func @transform_1(%arg0: i32, %arg1: i32) -> (i32, i32) {
    %c0_i32 = arith.constant 0 : i32
    %c0_i32_0 = arith.constant 0 : i32
    return %arg1, %c0_i32 : i32, i32
  }
  func.func @transform_2(%arg0: i32, %arg1: i32) -> (i32, i32) {
    %c0_i32 = arith.constant 0 : i32
    return %arg0, %arg1 : i32, i32
  }
}

</mosaic_0001>

<sc_bundles>
// kernel: kernel.4.cloned.1.call-start
scs
__scs_entry_jumppad:
0x0: {  	(pc) =	sbr.rel $0x88, $3  }
0x1: {  	(tag) =	ssettag $0x0;
	lr =	simm.s32 $0x1  }
0x2: {  	[smem:$0x3F9D] =	sst lr;
	_ =	strace $0xD0000000  }
0x3: {  	_ = 	snop  }
0x4: {  	_ = 	snop  }
0x5: {  	_ = 	snop  }
0x6: {  	_ = 	snop  }
0x7: {  	_ = 	snop  }
__scs_overlays_trampoline_lowered:
0x8: {  	[smem:$0x3FAC] =	sst s0  }
0x9: {  	[smem:$0x3FAD] =	sst s1  }
0xa: {  	[smem:$0x3FAE] =	sst s2  }
0xb: {  	[smem:$0x3FAF] =	sst s3  }
0xc: {  	[smem:$0x3FB0] =	sst s4  }
0xd: {  	[smem:$0x3FB1] =	sst s5  }
0xe: {  	[smem:$0x3FB2] =	sst s6  }
0xf: {  	[smem:$0x3FB3] =	sst s7  }
0x10: {  	[smem:$0x3FB4] =	sst s8  }
0x11: {  	[smem:$0x3FB5] =	sst s9;
	s0 =	simm.s32 @!p0 $0x0  }
0x12: {  	s1 =	sld [smem:$0x3F9B];
	s0 =	simm.s32 @p0 $0x1  }
0x13: {  	[smem:$0x3FB6] =	sst s0;
	s0 =	simm.s32 @!p1 $0x0  }
0x14: {  	s2 =	sld [smem:$0x3F9A];
	s0 =	simm.s32 @p1 $0x1  }
0x15: {  	[smem:$0x3FB7] =	sst s0;
	s0 =	simm.s32 @!p2 $0x0  }
0x16: {  	s3 =	sld [smem:$0x3FDB];
	s0 =	simm.s32 @p2 $0x1  }
0x17: {  	s4 =	simm.s32 $0x1BF5;
	[smem:$0x3FB9] =	sst s0  }
0x18: {  	s0 =	sld [smem:$0x3F9C];
	_ =	swait.ge [sflag:s4], $0x0  }
0x19: {  	s7 =	sld [smem:$0x3F9D]  }
0x1a: {  	s8 =	sadd.s32 $0xFFFFE003, lr  }
0x1b: {  	s9 =	sadd.s32 $0xFFFFFEF7, lr;
	s5 =	simm.s32 $0xFFFFFFFF;
	p2 =	slt.u32 s8, $0xFFFFF086  }
0x1c: {  	p1 =	slt.u32 s9, $0xF7A;
	s5 =	simm.s32 @!p2 $0x0  }
0x1d: {  	s5 =	simm.s32 @p1 $0x1;
	p0 =	seq.s32 s7, s2  }
0x1e: {  	s7 =	smul.u32 @!p0 $0xF7A, s2;
	p2 =	seq.s32 @!p0 s5, $0x0  }
0x1f: {  	s9 =	smul.u32 $0xF7A, s1;
	s8 =	simm.s32 @!p0 $0x1BF5;
	p2 =	por !p2, p0  }
0x20: {  	[sflag:s8] =	ssyncset.s32 @!p0 $0xFFFFF086;
	s6 =	sadd.s32 @!p0 s3, s7;
	s7 =	simm.s32 @!p0 $0x108  }
0x21: {  	s3 =	sadd.s32 s3, s9;
	s6 =	sadd.s32 @!p0 $0x88, s6;
	s7 =	simm.s32 @p2 $0x1082  }
0x22: {  	[simem:s7], [sflag:s8] =	dma.local @!p0 [hbm:s6], $0xF7A  }
0x23: {  	s9 =	sor.u32 $0xD0000000, s2;
	s6 =	simm.s32 $0x108;
	_ =	swait.ge @!p0 [sflag:s8], $0x0  }
0x24: {  	s3 =	sadd.s32 $0x88, s3;
	s6 =	simm.s32 @!p1 $0x1082;
	[sflag:s4] =	ssyncset.s32 $0xFFFFF086  }
0x25: {  	[simem:s6], [sflag:s4] =	dma.local [hbm:s3], $0xF7A  }
0x26: {  	[smem:$0x3F9D] =	sst s1;
	(tag) =	ssettag s2;
	_ =	strace s9  }
0x27: {  	s1 =	sld [smem:$0x3FAD]  }
0x28: {  	s2 =	sld [smem:$0x3FAE]  }
0x29: {  	s4 =	sld [smem:$0x3FB0]  }
0x2a: {  	p0 =	seq.s32 s5, $0x0;
	s5 =	sld [smem:$0x3FB1]  }
0x2b: {  	s6 =	sld [smem:$0x3FB2]  }
0x2c: {  	s7 =	sld [smem:$0x3FB3]  }
0x2d: {  	s3 =	simm.s32 $0x108;
	s8 =	sld [smem:$0x3FB4]  }
0x2e: {  	s3 =	simm.s32 @!p0 $0x1082;
	s9 =	sld [smem:$0x3FB5]  }
0x2f: {  	lr =	sadd.s32 s0, s3;
	s0 =	sld [smem:$0x3FAC]  }
0x30: {  	s3 =	sld [smem:$0x3FAF]  }
0x31: {  	[smem:$0x3FB8] =	sst s10  }
0x32: {  	s10 =	sld [smem:$0x3FB6];
	_ =	sdelay $0x3  }
0x33: {  	p0 =	seq.s32 s10, $0x1;
	s10 =	sld [smem:$0x3FB8];
	_ =	sdelay $0x3  }
0x34: {  	[smem:$0x3FB8] =	sst s10  }
0x35: {  	s10 =	sld [smem:$0x3FB7];
	_ =	sdelay $0x3  }
0x36: {  	p1 =	seq.s32 s10, $0x1;
	s10 =	sld [smem:$0x3FB8];
	_ =	sdelay $0x3  }
0x37: {  	[smem:$0x3FB8] =	sst s10  }
0x38: {  	s10 =	sld [smem:$0x3FB9]  }
0x39: {  	_ = 	snop;
	(pc) =	sbr.ind lr, $3  }
0x3a: {  	_ = 	snop  }
0x3b: {  	_ = 	snop  }
0x3c: {  	p2 =	seq.s32 s10, $0x1;
	s10 =	sld [smem:$0x3FB8]  }
0x3d: {  	_ =	shalt  }
0x3e: {  	_ =	shalt  }
0x3f: {  	_ =	shalt  }
0x40: {  	_ =	shalt  }
0x41: {  	_ =	shalt  }
0x42: {  	_ =	shalt  }
0x43: {  	_ =	shalt  }
0x44: {  	_ =	shalt  }
0x45: {  	_ =	shalt  }
0x46: {  	_ =	shalt  }
0x47: {  	_ =	shalt  }
0x48: {  	_ =	shalt  }
0x49: {  	_ =	shalt  }
0x4a: {  	_ =	shalt  }
0x4b: {  	_ =	shalt  }
0x4c: {  	_ =	shalt  }
0x4d: {  	_ =	shalt  }
0x4e: {  	_ =	shalt  }
0x4f: {  	_ =	shalt  }
0x50: {  	_ =	shalt  }
0x51: {  	_ =	shalt  }
0x52: {  	_ =	shalt  }
0x53: {  	_ =	shalt  }
0x54: {  	_ =	shalt  }
0x55: {  	_ =	shalt  }
0x56: {  	_ =	shalt  }
0x57: {  	_ =	shalt  }
0x58: {  	_ =	shalt  }
0x59: {  	_ =	shalt  }
0x5a: {  	_ =	shalt  }
0x5b: {  	_ =	shalt  }
0x5c: {  	_ =	shalt  }
0x5d: {  	_ =	shalt  }
0x5e: {  	_ =	shalt  }
0x5f: {  	_ =	shalt  }
0x60: {  	_ =	shalt  }
0x61: {  	_ =	shalt  }
0x62: {  	_ =	shalt  }
0x63: {  	_ =	shalt  }
0x64: {  	_ =	shalt  }
0x65: {  	_ =	shalt  }
0x66: {  	_ =	shalt  }
0x67: {  	_ =	shalt  }
0x68: {  	_ =	shalt  }
0x69: {  	_ =	shalt  }
0x6a: {  	_ =	shalt  }
0x6b: {  	_ =	shalt  }
0x6c: {  	_ =	shalt  }
0x6d: {  	_ =	shalt  }
0x6e: {  	_ =	shalt  }
0x6f: {  	_ =	shalt  }
0x70: {  	_ =	shalt  }
0x71: {  	_ =	shalt  }
0x72: {  	_ =	shalt  }
0x73: {  	_ =	shalt  }
0x74: {  	_ =	shalt  }
0x75: {  	_ =	shalt  }
0x76: {  	_ =	shalt  }
0x77: {  	_ =	shalt  }
0x78: {  	_ =	shalt  }
0x79: {  	_ =	shalt  }
0x7a: {  	_ =	shalt  }
0x7b: {  	_ =	shalt  }
0x7c: {  	_ =	shalt  }
0x7d: {  	_ =	shalt  }
0x7e: {  	_ =	shalt  }
0x7f: {  	_ =	shalt  }
0x80: {  	_ =	shalt  }
0x81: {  	_ =	shalt  }
0x82: {  	_ =	shalt  }
0x83: {  	_ =	shalt  }
0x84: {  	_ =	shalt  }
0x85: {  	_ =	shalt  }
0x86: {  	_ =	shalt  }
0x87: {  	_ =	shalt  }
.Lfunc_end0:
.L_simem_size_0:
called_computation_lowered:
.L_overlay_start_0:
0x88: {  	s2 =	sld [smem:$0x3FD9]  }
0x89: {  	s3 =	sld [smem:$0x3FFE];
	_ =	sdelay $0x1  }
0x8a: {  	s1 =	srdreg.scid  }
0x8b: {  	s0 =	sand.u32 $0x1, s1  }
0x8c: {  	s17 =	sshll.u32 s0, $0xA;
	s2 =	sadd.s32 s3, s2  }
0x8d: {  	s2 =	sadd.s32 s2, s17  }
0x8e: {  	[smem:$0x3FC4] =	sst s2  }
0x8f: {  	_ = 	snop  }
0x90: {  	s2 =	sld [smem:$0x3FD0];
	(tm) =	ssettm $0x1  }
0x91: {  	s18 =	sld [smem:$0x3FFB];
	_ =	sdelay $0x3  }
0x92: {  	_ =	strace s18  }
0x93: {  	s3 =	sld [smem:$0x3FFC];
	_ =	sdelay $0x3  }
0x94: {  	_ =	strace s3  }
0x95: {  	s3 =	sld [smem:$0x3FFD];
	_ =	sdelay $0x3  }
0x96: {  	_ =	strace s3  }
0x97: {  	_ =	strace $0x8FFFFFFF  }
0x98: {  	s19 =	sld [smem:$0x3FDB];
	_ =	sdelay $0x1  }
0x99: {  	s4 =	simm.s32 $_scs_section_size  }
0x9a: {  	s5 =	simm.s32 $_size__tile_overlayer_lowered;
	s6 =	simm.s32 $_tile_overlayer_lowered  }
0x9b: {  	s22 =	simm.s32 $0x1BFF;
	s21 =	sshll.u32 s6, $0x1;
	s3 =	sadd.s32 s4, s19  }
0x9c: {  	s7 =	simm.s32 $0x0;
	s20 =	sshll.u32 s5, $0x1;
	s5 =	sadd.s32 s21, s3  }
0x9d: {  	[timem:s7], [sflag:s22] =	dma.local [hbm:s5], s20  }
0x9e: {  	_ =	swait.ge [sflag:s22], s20  }
0x9f: {  	s4 =	ssub.s32 $0x0, s20;
	[sflag:s22] =	ssyncset.done $0x0  }
0xa0: {  	[sflag:s22] =	ssyncadd.s32 s4;
	_ =	sdelay $0x1  }
0xa1: {  	s23 =	simm.s32 $0x1B8B  }
0xa2: {  	_ =	swait.ge [sflag:s23], $0x1  }
0xa3: {  	[sflag:s23] =	ssyncset.done $0x0  }
0xa4: {  	s25 =	simm.s32 $0x1B8E;
	s24 =	sld [smem:$0x3FFE];
	[sflag:s23] =	ssyncadd.s32 $0xFFFFFFFF  }
0xa5: {  	s26 =	simm.s32 $execute0_lowered;
	[smem:$0x3FD2] =	sst s25  }
0xa6: {  	s5 =	sshll.u32 s26, $0x1;
	_ =	strace $0x80000046;
	[dreg:$0x1] =	wrdreg $0xFFFFFFFF  }
0xa7: {  	s28 =	simm.s32 $_size_execute0_lowered;
	s3 =	sadd.s32 s3, s5;
	[dreg:$0x0] =	wrdreg $0x0  }
0xa8: {  	s5 =	sshll.u32 s28, $0x1;
	[dreg:$0x2] =	wrdreg s3  }
0xa9: {  	[dreg:$0x3] =	wrdreg s5  }
0xaa: {  	[dreg:$0x4] =	wrdreg $0xC0  }
0xab: {  	_ =	task [dreg:s7], $0x5FFFF  }
0xac: {  	[dreg:$0x1] =	wrdreg $0xFFFFFFFF  }
0xad: {  	[dreg:$0x0] =	wrdreg $0x60  }
0xae: {  	[dreg:$0x2] =	wrdreg s24  }
0xaf: {  	[dreg:$0x3] =	wrdreg s2  }
0xb0: {  	[dreg:$0x4] =	wrdreg $0x9  }
0xb1: {  	_ =	task.clear_ibuf [dreg:s7], $0x5FFFF;
	_ =	strace $0x90000046  }
0xb2: {  	s29 =	simm.s32 $0x9;
	_ =	strace $0x80000048  }
0xb3: {  	_ =	swait.ge [sflag:s29], $0x1  }
0xb4: {  	[sflag:s29] =	ssyncadd.s32 $0xFFFFFFFF  }
0xb5: {  	_ =	strace $0x90000048  }
0xb6: {  	_ =	sfence  }
0xb7: {  	s30 =	sld [smem:$0x0];
	_ =	sdelay $0x2  }
0xb8: {  	s31 =	sshll.u32 s1, $0xD;
	s1 =	sshrl.u32 s1, $0x2  }
0xb9: {  	s3 =	sand.u32 $0x4000, s31;
	s1 =	sadd.s32 s1, s30  }
0xba: {  	s0 =	sor.u32 s3, s0;
	s1 =	sshll.u32 s1, $0x11  }
0xbb: {  	s0 =	sor.u32 s1, s0  }
0xbc: {  	s0 =	sadd.s32 $0x8F2B, s0  }
0xbd: {  	[sflag:s0] =	ssyncadd.remote.s32 $0x1  }
0xbe: {  	_ =	sfence.sel $0xFFFF  }
0xbf: {  	[dreg:$0x0] =	wrdreg $0xFFFFFFFF;
	(pc) =	sbr.abs _section_cstart, $3  }
0xc0: {  	[dreg:$0x1] =	wrdreg $0xFFFFFFFF  }
0xc1: {  	_ =	task.clear_ibuf [dreg:s7], $0x2FFFF;
	_ =	strace $0x9FFFFFFF  }
0xc2: {  	(tm) =	ssettm $0x7FFFFFFF  }
0xc3: {  	_ =	shalt  }
tec
execute0_lowered:
.L_overlay_start_1:
0x0: {  	(tag) =	ssettag $0x1  }
0x1: {  	s0 =	rddreg [dreg:$0x0]  }
0x2: {  	s1 =	rddreg [dreg:$0x1];
	s2 =	simm.s32 $0x0;
	s26 =	srdreg.scid  }
0x3: {  	s5 =	stileid.u32;
	s8 =	simm.s32 $0x2;
	s9 =	simm.s32 $0x50  }
0x4: {  	s11 =	simm.s32 $0x1C20;
	s12 =	simm.s32 $0xA0;
	s13 =	simm.s32 $0x3520  }
0x5: {  	s14 =	simm.s32 $0xF0;
	s15 =	simm.s32 $0x4E20;
	s16 =	simm.s32 $0x140  }
0x6: {  	s17 =	simm.s32 $0x6720;
	s18 =	simm.s32 $0x190;
	s19 =	simm.s32 $0x8020  }
0x7: {  	s20 =	simm.s32 $0x1E0;
	s21 =	simm.s32 $0x9920;
	s22 =	simm.s32 $0x230  }
0x8: {  	s23 =	simm.s32 $0xB220;
	s24 =	simm.s32 $0x280;
	s25 =	simm.s32 $0xCB20  }
0x9: {  	s28 =	simm.s32 $0xE420;
	[smem:$0x7FF] =	sst s2;
	s2 =	sand.u32 $0x1, s26  }
0xa: {  	s29 =	simm.s32 $0x1;
	s30 =	simm.s32 $0xFD20;
	s3 =	ssub.s32 $0x2, s2  }
0xb: {  	s4 =	sadd.s32 $0x2400, s0;
	s7 =	sshll.u32 s5, $0xA;
	s6 =	sshrl.u32 s3, $0x1  }
0xc: {  	s5 =	sadd.s32 $0x1B400, s0;
	s26 =	simm.s32 $0x2D0;
	s31 =	ssub.s32 s3, s6  }
0xd: {  	_ =	strace $0x80000047;
	s2 =	sshll.u32 s2, $0x9;
	s0 =	smax.u32 s31, $0x1  }
0xe: {  	s6 =	sor.u32 s2, s7;
	s2 =	simm.s32 $0x0;
	[dreg:$0x3] =	wrdreg s0  }
.LBB2_1:
0xf: {  	[dreg:$0x4] =	wrdreg s2;
	s0 =	simm.s32 $0x0  }
.LBB2_2:
0x10: {  	s2 =	sshll.u32 s0, $0x4  }
0x11: {  	s3 =	sadd.s32 s6, s2  }
0x12: {  	s2 =	smul.u32 $0x32, s3;
	_ =	sdelay $0x1  }
0x13: {  	s2 =	sshrl.u32 s2, $0x3  }
0x14: {  	s7 =	simm.s32 $0x0;
	s2 =	sadd.s32 s4, s2  }
0x15: {  	[tilespmem:s7], [sflag:$0x2] =	stream.linear.gather [hbm4b:s2+s7], $0x320, $0x38;
	[tilespmem:$0x10220] =	vst v63  }
0x16: {  	_ =	swait.ge [sflag:s8], $0x320  }
0x17: {  	[sflag:s8] =	ssyncset.done $0x0  }
0x18: {  	s10 =	simm.s32 $0x320;
	[sflag:s8] =	ssyncadd.s32 $0xFFFFFCE0  }
0x19: {  	[tilespmem:s10], [sflag:$0x1] =	stream.indirect.gather [hbm4b:s1+s9], $0x50, s7, s9, $0xb8;
	[tilespmem:$0x10220] =	vst v63  }
0x1a: {  	_ = 	snop  }
0x1b: {  	[tilespmem:s11], [sflag:$0x1] =	stream.indirect.gather [hbm4b:s1+s9], $0x50, s9, s9, $0xb8;
	[tilespmem:$0x10220] =	vst v63  }
0x1c: {  	_ = 	snop  }
0x1d: {  	[tilespmem:s13], [sflag:$0x1] =	stream.indirect.gather [hbm4b:s1+s9], $0x50, s12, s9, $0xb8;
	[tilespmem:$0x10220] =	vst v63  }
0x1e: {  	_ = 	snop  }
0x1f: {  	[tilespmem:s15], [sflag:$0x1] =	stream.indirect.gather [hbm4b:s1+s9], $0x50, s14, s9, $0xb8;
	[tilespmem:$0x10220] =	vst v63  }
0x20: {  	_ = 	snop  }
0x21: {  	[tilespmem:s17], [sflag:$0x1] =	stream.indirect.gather [hbm4b:s1+s9], $0x50, s16, s9, $0xb8;
	[tilespmem:$0x10220] =	vst v63  }
0x22: {  	_ = 	snop  }
0x23: {  	[tilespmem:s19], [sflag:$0x1] =	stream.indirect.gather [hbm4b:s1+s9], $0x50, s18, s9, $0xb8;
	[tilespmem:$0x10220] =	vst v63  }
0x24: {  	_ = 	snop  }
0x25: {  	[tilespmem:s21], [sflag:$0x1] =	stream.indirect.gather [hbm4b:s1+s9], $0x50, s20, s9, $0xb8;
	[tilespmem:$0x10220] =	vst v63  }
0x26: {  	_ = 	snop  }
0x27: {  	[tilespmem:s23], [sflag:$0x1] =	stream.indirect.gather [hbm4b:s1+s9], $0x50, s22, s9, $0xb8;
	[tilespmem:$0x10220] =	vst v63  }
0x28: {  	_ = 	snop  }
0x29: {  	[tilespmem:s25], [sflag:$0x1] =	stream.indirect.gather [hbm4b:s1+s9], $0x50, s24, s9, $0xb8;
	[tilespmem:$0x10220] =	vst v63  }
0x2a: {  	_ = 	snop  }
0x2b: {  	[tilespmem:s28], [sflag:$0x1] =	stream.indirect.gather [hbm4b:s1+s9], $0x50, s26, s9, $0xb8;
	[tilespmem:$0x10220] =	vst v63  }
0x2c: {  	_ =	swait.ge [sflag:s29], $0x1900  }
0x2d: {  	[sflag:s29] =	ssyncset.done $0x0  }
0x2e: {  	[sflag:s29] =	ssyncadd.s32 $0xFFFFE700  }
0x2f: {  	_ =	swait.ge [sflag:s29], $0x1900  }
0x30: {  	[sflag:s29] =	ssyncset.done $0x0  }
0x31: {  	[sflag:s29] =	ssyncadd.s32 $0xFFFFE700  }
0x32: {  	_ =	swait.ge [sflag:s29], $0x1900  }
0x33: {  	[sflag:s29] =	ssyncset.done $0x0  }
0x34: {  	[sflag:s29] =	ssyncadd.s32 $0xFFFFE700  }
0x35: {  	_ =	swait.ge [sflag:s29], $0x1900  }
0x36: {  	[sflag:s29] =	ssyncset.done $0x0  }
0x37: {  	[sflag:s29] =	ssyncadd.s32 $0xFFFFE700  }
0x38: {  	_ =	swait.ge [sflag:s29], $0x1900  }
0x39: {  	[sflag:s29] =	ssyncset.done $0x0  }
0x3a: {  	[sflag:s29] =	ssyncadd.s32 $0xFFFFE700  }
0x3b: {  	_ =	swait.ge [sflag:s29], $0x1900  }
0x3c: {  	[sflag:s29] =	ssyncset.done $0x0  }
0x3d: {  	[sflag:s29] =	ssyncadd.s32 $0xFFFFE700  }
0x3e: {  	_ =	swait.ge [sflag:s29], $0x1900  }
0x3f: {  	[sflag:s29] =	ssyncset.done $0x0  }
0x40: {  	[sflag:s29] =	ssyncadd.s32 $0xFFFFE700  }
0x41: {  	_ =	swait.ge [sflag:s29], $0x1900  }
0x42: {  	[sflag:s29] =	ssyncset.done $0x0  }
0x43: {  	[sflag:s29] =	ssyncadd.s32 $0xFFFFE700  }
0x44: {  	_ =	swait.ge [sflag:s29], $0x1900  }
0x45: {  	[sflag:s29] =	ssyncset.done $0x0  }
0x46: {  	[sflag:s29] =	ssyncadd.s32 $0xFFFFE700  }
0x47: {  	_ =	swait.ge [sflag:s29], $0x1900  }
0x48: {  	[sflag:s29] =	ssyncset.done $0x0  }
0x49: {  	s31 =	simm.s32 $0x340;
	[sflag:s29] =	ssyncadd.s32 $0xFFFFE700  }
.LBB2_3:
0x4a: {  	v2 =	vmov s31;
	_ =	sdelay $0x3  }
0x4b: {  	s10 =	simm.s32 $0x0  }
0x4c: {  	v0 =	vld.idx.msk [tilespmem:v2+s10+$0x20 ss:$0x1], $0xffff  }
0x4d: {  	v3 =	vld.idx.msk [tilespmem:v2+s10+$0xFFFFFFE0 ss:$0x1], $0xffff  }
0x4e: {  	v4 =	vld.idx.msk [tilespmem:v2+s10+$0xFFFFFFF0 ss:$0x1], $0xffff  }
0x4f: {  	v1 =	vimm.f32 $0.0e+00;
	v7 =	vimm.f32 $0.0e+00;
	v5 =	vld.idx.msk [tilespmem:v2+s10+$0x0 ss:$0x1], $0xffff  }
0x50: {  	s2 =	simm.s32 $0x140;
	v10 =	vimm.f32 $0.0e+00;
	v9 =	vimm.f32 $0.0e+00;
	v8 =	vimm.f32 $0.0e+00;
	v6 =	vld.idx.msk [tilespmem:v2+s10+$0x10 ss:$0x1], $0xffff  }
.LBB2_4:
0x51: {  	s10 =	sshra.s32 s2, $0x2;
	p0 =	sne.s32 s2, $0x3D40;
	s2 =	sadd.s32 $0x140, s2  }
.Ltmp0:
0x52: {  	v1 =	vadd.f32 v0, v1;
	v0 =	vld.idx.msk [tilespmem:v2+s10+$0x20 ss:$0x1], $0xffff;
	(pc) =	sbr.rel @p0 .LBB2_4-.Ltmp0, $4  }
0x53: {  	v7 =	vadd.f32 v3, v7;
	v3 =	vld.idx.msk [tilespmem:v2+s10+$0xFFFFFFE0 ss:$0x1], $0xffff  }
0x54: {  	v10 =	vadd.f32 v4, v10;
	v4 =	vld.idx.msk [tilespmem:v2+s10+$0xFFFFFFF0 ss:$0x1], $0xffff  }
0x55: {  	v9 =	vadd.f32 v5, v9;
	v5 =	vld.idx.msk [tilespmem:v2+s10+$0x0 ss:$0x1], $0xffff  }
0x56: {  	v8 =	vadd.f32 v6, v8;
	v6 =	vld.idx.msk [tilespmem:v2+s10+$0x10 ss:$0x1], $0xffff  }
0x57: {  	v0 =	vadd.f32 v0, v1  }
0x58: {  	s2 =	smul.u32 $0x140, s7;
	v2 =	vadd.f32 v3, v7  }
0x59: {  	s7 =	sadd.s32 $0x1, s7;
	v59 =	vadd.f32 v4, v10;
	v0 =	vmul.f32 $1.999999960e-02, v0  }
0x5a: {  	p0 =	sne.s32 s7, $0x10;
	s2 =	sshra.s32 s2, $0x2;
	v60 =	vadd.f32 v5, v9;
	v2 =	vmul.f32 $1.999999960e-02, v2  }
.Ltmp1:
0x5b: {  	v61 =	vadd.f32 v6, v8;
	v3 =	vmul.f32 $1.999999960e-02, v59;
	[tilespmem:s2+$0xFD60] =	vst v0;
	(pc) =	sbr.rel @p0 .LBB2_3-.Ltmp1, $4  }
0x5c: {  	[tilespmem:s2+$0xFD20] =	vst v2;
	v62 =	vmul.f32 $1.999999960e-02, v60  }
0x5d: {  	[tilespmem:s2+$0xFD30] =	vst v3;
	v63 =	vmul.f32 $1.999999960e-02, v61  }
0x5e: {  	[tilespmem:s2+$0xFD40] =	vst v62  }
0x5f: {  	s31 =	sadd.s32 $0xFA0, s31;
	[tilespmem:s2+$0xFD50] =	vst v63  }
0x60: {  	s2 =	smul.u32 $0xA, s3;
	s0 =	sadd.s32 $0x1, s0  }
0x61: {  	p0 =	sne.s32 s0, $0x20  }
.Ltmp2:
0x62: {  	s31 =	simm.s32 $0x0;
	s2 =	sadd.s32 s5, s2;
	(pc) =	sbr.rel @p0 .LBB2_2-.Ltmp2, $4  }
0x63: {  	[hbm4b:s2+s31] =	stream.linear.scatter [tilespmem:s30], [sflag:$0x2], $0x500, $0x38;
	[tilespmem:$0x10220] =	vst v63  }
0x64: {  	_ =	swait.ge [sflag:s8], $0x500  }
0x65: {  	[sflag:s8] =	ssyncset.done $0x0  }
0x66: {  	[sflag:s8] =	ssyncadd.s32 $0xFFFFFB00  }
0x67: {  	s2 =	rddreg [dreg:$0x4]  }
0x68: {  	s0 =	rddreg [dreg:$0x3];
	s2 =	sadd.s32 $0x1, s2  }
0x69: {  	p0 =	sne.s32 s2, s0  }
.Ltmp3:
0x6a: {  	_ = 	snop;
	(pc) =	sbr.rel @p0 .LBB2_1-.Ltmp3, $1  }
0x6b: {  	_ =	sdelay $0x3  }
0x6c: {  	_ =	sfence.sel $0x180000  }
0x6d: {  	[bflag:$0x0] =	sbarrier.arrive $0xFFFF  }
0x6e: {  	_ =	strace $0x90000047  }
0x6f: {  	s0 =	stileid.u32;
	[bflag:$0x2] =	sbarrier.arrive $0xFFFF  }
0x70: {  	p0 =	sne.s32 s0, $0x0;
	s0 =	rddreg [dreg:$0x2]  }
0x71: {  	s0 =	sadd.s32 @!p0 $0x100000, s0  }
0x72: {  	[sflag:s0] =	ssyncadd.tile.s32 @!p0 $0x1;
	_ =	shalt  }
.Lfunc_end2:
_tile_overlayer_lowered:
.L_overlay_start_2:
0x73: {  	(tag) =	ssettag $0x2  }
0x74: {  	s0 =	rddreg [dreg:$0x0];
	s2 =	stileid.u32  }
0x75: {  	s1 =	rddreg [dreg:$0x1];
	p0 =	sne.s32 s2, $0x0  }
0x76: {  	s3 =	rddreg [dreg:$0x2];
	[bflag:$0x3] =	sbarrier.arrive $0xFFFF;
	s2 =	simm.s32 @!p0 $0x1C02  }
0x77: {  	[timem:s3], [sflag:s2] =	dma.local @!p0 [hbm:s0], s1  }
0x78: {  	s0 =	simm.s32 @!p0 $0x2  }
0x79: {  	_ =	swait.ge @!p0 [sflag:s0], s1  }
0x7a: {  	s1 =	ssub.s32 @!p0 $0x0, s1;
	[sflag:s0] =	ssyncset.done @!p0 $0x0  }
0x7b: {  	[sflag:s0] =	ssyncadd.s32 @!p0 s1  }
0x7c: {  	[bflag:$0x3] =	sbarrier.arrive $0xFFFF  }
0x7d: {  	_ =	shalt  }

</sc_bundles>
